<compile_context>
chip_gen: v7x
topology: tpu7x:2x2x1
jax: 0.10.2.dev20260603
libtpu: 0.0.44.dev20260713+nightly
codegen_flags: <defaults>
</compile_context>

<pallas_src>
import functools

import jax
import jax.numpy as jnp
from jax import lax
from jax.experimental import pallas as pl
from jax.experimental.pallas import tpu as pltpu
from jax.experimental.pallas import tpu_sc as plsc

CAP = 4096
DIM = 128
BATCH = 1024
MOM = 0.9
LR = 0.1

_NC = 2
_NS = 16
_NW = _NC * _NS
_L = 16
_UPD_ROWS = BATCH // _NW
_CPY_ROWS = (CAP - BATCH) // _NW


def _sc_body(x_hbm, mem_hbm, mom_hbm, out_hbm, x_v, mem_v, mom_v, cpy_v,
             sem_in, sem_cp, sem_out):
    wid = lax.axis_index("s") * _NC + lax.axis_index("c")
    ubase = wid * _UPD_ROWS
    cbase = BATCH + wid * _CPY_ROWS

    cpy_in = pltpu.async_copy(mem_hbm.at[pl.ds(cbase, _CPY_ROWS)], cpy_v, sem_cp)
    ld_x = pltpu.async_copy(x_hbm.at[pl.ds(ubase, _UPD_ROWS)], x_v, sem_in)
    ld_me = pltpu.async_copy(mem_hbm.at[pl.ds(ubase, _UPD_ROWS)], mem_v, sem_in)
    ld_mo = pltpu.async_copy(mom_hbm.at[pl.ds(ubase, _UPD_ROWS)], mom_v, sem_in)

    cpy_in.wait()
    cpy_out = pltpu.async_copy(cpy_v, out_hbm.at[pl.ds(cbase, _CPY_ROWS)], sem_out)

    ld_x.wait()
    ld_me.wait()
    ld_mo.wait()

    def row(i, carry):
        for j in range(DIM // _L):
            sl = pl.ds(j * _L, _L)
            m = mem_v[i, sl]
            new_mom = MOM * mom_v[i, sl] + (1.0 - MOM) * (x_v[i, sl] - m)
            mem_v[i, sl] = m + LR * new_mom
        return carry

    lax.fori_loop(0, _UPD_ROWS, row, 0)

    upd_out = pltpu.async_copy(mem_v, out_hbm.at[pl.ds(ubase, _UPD_ROWS)], sem_out)
    cpy_out.wait()
    upd_out.wait()


@functools.cache
def _titans_sc():
    return pl.kernel(
        _sc_body,
        out_type=jax.ShapeDtypeStruct((CAP, DIM), jnp.float32),
        mesh=plsc.VectorSubcoreMesh(core_axis_name="c", subcore_axis_name="s"),
        scratch_types=[
            pltpu.VMEM((_UPD_ROWS, DIM), jnp.float32),
            pltpu.VMEM((_UPD_ROWS, DIM), jnp.float32),
            pltpu.VMEM((_UPD_ROWS, DIM), jnp.float32),
            pltpu.VMEM((_CPY_ROWS, DIM), jnp.float32),
            pltpu.SemaphoreType.DMA,
            pltpu.SemaphoreType.DMA,
            pltpu.SemaphoreType.DMA,
        ],
    )


def kernel(x, memory, surprise_scores, momentum_buffer):
    del surprise_scores
    return _titans_sc()(x, memory, momentum_buffer)

# --- scband reference (transcript-rebuilt; emitter-appended) ---
"""Pipeline reference for scband-titans-memory-module-34230889349598 (READ-ONLY COPY).

The authoritative reference and input builder live on the scoring server;
editing this copy changes nothing except your own understanding.
"""

import jax, jax.numpy as jnp
import numpy as np

CAP = 4096
DIM = 128
BATCH = 1024
MOM = 0.9
LR = 0.1
WD = 0.01
THR = 0.5
FORGET = 0.1


def setup_inputs(seed: int = 0) -> dict:
    key = jax.random.key(seed)
    x = jax.random.normal(key, (BATCH, DIM), dtype=jnp.float32)
    memory = jnp.zeros((CAP, DIM), dtype=jnp.float32)
    surprise_scores = jnp.zeros((CAP,), dtype=jnp.float32)
    momentum_buffer = jnp.zeros((CAP, DIM), dtype=jnp.float32)
    return {"x": x, "memory": memory, "surprise_scores": surprise_scores, "momentum_buffer": momentum_buffer}


def _cosine_sim(x, mem, eps=1e-8):
    # matches torch.cosine_similarity semantics: clamp each norm at eps
    xn = jnp.clip(jnp.linalg.norm(x, axis=-1, keepdims=True), eps)
    mn = jnp.clip(jnp.linalg.norm(mem, axis=-1, keepdims=True), eps)
    num = x @ mem.T
    return num / (xn * mn.T)


def _calculate_surprise(x, memory):
    sims = _cosine_sim(x, memory)  # [B, CAP]
    s = 1.0 - jnp.max(sims, axis=1)
    total_norm = jnp.linalg.norm(memory)
    return jnp.where(total_norm == 0.0, jnp.ones_like(s), s)


def reference(x, memory, surprise_scores, momentum_buffer):
    surprises = _calculate_surprise(x, memory)

    def step(carry, inp):
        mem, mom, scores, ptr = carry
        xi, si = inp
        cond = (si > THR) | (ptr < CAP)
        idx = jnp.mod(ptr, CAP)
        diff = xi - mem[idx]
        new_mom_row = MOM * mom[idx] + (1.0 - MOM) * diff
        new_mem_row = mem[idx] + LR * new_mom_row
        mem = mem.at[idx].set(jnp.where(cond, new_mem_row, mem[idx]))
        mom = mom.at[idx].set(jnp.where(cond, new_mom_row, mom[idx]))
        scores = scores.at[idx].set(jnp.where(cond, si, scores[idx]))
        ptr = ptr + jnp.where(cond, jnp.int32(1), jnp.int32(0))
        return (mem, mom, scores, ptr), None

    (mem, mom, scores, ptr), _ = jax.lax.scan(
        step,
        (memory, momentum_buffer, surprise_scores, jnp.int32(0)),
        (x, surprises),
    )

    # adaptive_forgetting: only applies once ptr >= capacity
    avg = jnp.mean(scores)
    mask = scores < avg * FORGET
    apply = ptr >= CAP
    factor = jnp.where(jnp.logical_and(apply, mask), 1.0 - WD, 1.0).astype(jnp.float32)
    mem = mem * factor[:, None]
    return mem

if __name__ == "__main__":
    import jax
    _d = setup_inputs()
    print(jax.jit(kernel)(*tuple(_d.values())))

</pallas_src>

<mosaic_0001>
#map = affine_map<(d0, d1) -> (0, 0)>
module attributes {stable_mosaic.version = 14 : i64} {
  func.func @_sc_body(%arg0: i32, %arg1: i32, %arg2: memref<1024x128xf32, #tpu.memory_space<hbm>>, %arg3: memref<4096x128xf32, #tpu.memory_space<hbm>>, %arg4: memref<4096x128xf32, #tpu.memory_space<hbm>>, %arg5: memref<4096x128xf32, #tpu.memory_space<hbm>>, %arg6: memref<32x128xf32, #tpu.memory_space<vmem>>, %arg7: memref<32x128xf32, #tpu.memory_space<vmem>>, %arg8: memref<32x128xf32, #tpu.memory_space<vmem>>, %arg9: memref<96x128xf32, #tpu.memory_space<vmem>>, %arg10: memref<!tpu.dma_semaphore, #tpu.memory_space<semaphore_mem>>, %arg11: memref<!tpu.dma_semaphore, #tpu.memory_space<semaphore_mem>>, %arg12: memref<!tpu.dma_semaphore, #tpu.memory_space<semaphore_mem>>) attributes {dimension_semantics = [#tpu.dimension_semantics<core_parallel>, #tpu.dimension_semantics<subcore_parallel>], iteration_bounds = array<i64: 2, 16>, scalar_prefetch = 0 : i64, scratch_operands = 7 : i64, tpu.core_type = #tpu.core_type<sc_vector_subcore>, window_params = [{transform_indices = #map}, {transform_indices = #map}, {transform_indices = #map}, {transform_indices = #map}]} {
    %mul3A = arith.constant 2 : i32
    %mul3A_0 = arith.muli %arg1, %mul3A : i32
    %add3A = arith.addi %mul3A_0, %arg0 : i32
    %mul3A_1 = arith.constant 32 : i32
    %mul3A_2 = arith.muli %add3A, %mul3A_1 : i32
    %mul3A_3 = arith.constant 96 : i32
    %mul3A_4 = arith.muli %add3A, %mul3A_3 : i32
    %add3A_5 = arith.constant 1024 : i32
    %add3A_6 = arith.addi %add3A_5, %mul3A_4 : i32
    %dma_start3A = arith.constant 0 : i32
    %dma_start3A_7 = tpu.memref_slice %arg3[%add3A_6, %dma_start3A] : memref<4096x128xf32, #tpu.memory_space<hbm>> -> memref<96x128xf32, #tpu.memory_space<hbm>>
    %dma_start3A_8 = arith.constant 0 : i32
    %dma_start3A_9 = tpu.memref_slice %arg3[%add3A_6, %dma_start3A_8] : memref<4096x128xf32, #tpu.memory_space<hbm>> -> memref<96x128xf32, #tpu.memory_space<hbm>>
    tpu.enqueue_dma source(%dma_start3A_9 : memref<96x128xf32, #tpu.memory_space<hbm>>) target(%arg9 : memref<96x128xf32, #tpu.memory_space<vmem>>) target_semaphore(%arg11 : memref<!tpu.dma_semaphore, #tpu.memory_space<semaphore_mem>>)
    %dma_start3A_10 = arith.constant 0 : i32
    %dma_start3A_11 = tpu.memref_slice %arg2[%mul3A_2, %dma_start3A_10] : memref<1024x128xf32, #tpu.memory_space<hbm>> -> memref<32x128xf32, #tpu.memory_space<hbm>>
    %dma_start3A_12 = arith.constant 0 : i32
    %dma_start3A_13 = tpu.memref_slice %arg2[%mul3A_2, %dma_start3A_12] : memref<1024x128xf32, #tpu.memory_space<hbm>> -> memref<32x128xf32, #tpu.memory_space<hbm>>
    tpu.enqueue_dma source(%dma_start3A_13 : memref<32x128xf32, #tpu.memory_space<hbm>>) target(%arg6 : memref<32x128xf32, #tpu.memory_space<vmem>>) target_semaphore(%arg10 : memref<!tpu.dma_semaphore, #tpu.memory_space<semaphore_mem>>)
    %dma_start3A_14 = arith.constant 0 : i32
    %dma_start3A_15 = tpu.memref_slice %arg3[%mul3A_2, %dma_start3A_14] : memref<4096x128xf32, #tpu.memory_space<hbm>> -> memref<32x128xf32, #tpu.memory_space<hbm>>
    %dma_start3A_16 = arith.constant 0 : i32
    %dma_start3A_17 = tpu.memref_slice %arg3[%mul3A_2, %dma_start3A_16] : memref<4096x128xf32, #tpu.memory_space<hbm>> -> memref<32x128xf32, #tpu.memory_space<hbm>>
    tpu.enqueue_dma source(%dma_start3A_17 : memref<32x128xf32, #tpu.memory_space<hbm>>) target(%arg7 : memref<32x128xf32, #tpu.memory_space<vmem>>) target_semaphore(%arg10 : memref<!tpu.dma_semaphore, #tpu.memory_space<semaphore_mem>>)
    %dma_start3A_18 = arith.constant 0 : i32
    %dma_start3A_19 = tpu.memref_slice %arg4[%mul3A_2, %dma_start3A_18] : memref<4096x128xf32, #tpu.memory_space<hbm>> -> memref<32x128xf32, #tpu.memory_space<hbm>>
    %dma_start3A_20 = arith.constant 0 : i32
    %dma_start3A_21 = tpu.memref_slice %arg4[%mul3A_2, %dma_start3A_20] : memref<4096x128xf32, #tpu.memory_space<hbm>> -> memref<32x128xf32, #tpu.memory_space<hbm>>
    tpu.enqueue_dma source(%dma_start3A_21 : memref<32x128xf32, #tpu.memory_space<hbm>>) target(%arg8 : memref<32x128xf32, #tpu.memory_space<vmem>>) target_semaphore(%arg10 : memref<!tpu.dma_semaphore, #tpu.memory_space<semaphore_mem>>)
    %dma_wait3A = arith.constant 0 : i32
    %dma_wait3A_22 = tpu.memref_slice %arg3[%add3A_6, %dma_wait3A] : memref<4096x128xf32, #tpu.memory_space<hbm>> -> memref<96x128xf32, #tpu.memory_space<hbm>>
    %dma_wait3A_23 = arith.constant 0 : i32
    %dma_wait3A_24 = tpu.memref_slice %arg3[%add3A_6, %dma_wait3A_23] : memref<4096x128xf32, #tpu.memory_space<hbm>> -> memref<96x128xf32, #tpu.memory_space<hbm>>
    tpu.wait_dma2 semaphore(%arg11 : memref<!tpu.dma_semaphore, #tpu.memory_space<semaphore_mem>>) src(%dma_wait3A_24 : memref<96x128xf32, #tpu.memory_space<hbm>>) dst(%arg9 : memref<96x128xf32, #tpu.memory_space<vmem>>)
    %dma_start3A_25 = arith.constant 0 : i32
    %dma_start3A_26 = tpu.memref_slice %arg5[%add3A_6, %dma_start3A_25] : memref<4096x128xf32, #tpu.memory_space<hbm>> -> memref<96x128xf32, #tpu.memory_space<hbm>>
    %dma_start3A_27 = arith.constant 0 : i32
    %dma_start3A_28 = tpu.memref_slice %arg5[%add3A_6, %dma_start3A_27] : memref<4096x128xf32, #tpu.memory_space<hbm>> -> memref<96x128xf32, #tpu.memory_space<hbm>>
    tpu.enqueue_dma source(%arg9 : memref<96x128xf32, #tpu.memory_space<vmem>>) target(%dma_start3A_28 : memref<96x128xf32, #tpu.memory_space<hbm>>) target_semaphore(%arg12 : memref<!tpu.dma_semaphore, #tpu.memory_space<semaphore_mem>>)
    %dma_wait3A_29 = arith.constant 0 : i32
    %dma_wait3A_30 = tpu.memref_slice %arg2[%mul3A_2, %dma_wait3A_29] : memref<1024x128xf32, #tpu.memory_space<hbm>> -> memref<32x128xf32, #tpu.memory_space<hbm>>
    %dma_wait3A_31 = arith.constant 0 : i32
    %dma_wait3A_32 = tpu.memref_slice %arg2[%mul3A_2, %dma_wait3A_31] : memref<1024x128xf32, #tpu.memory_space<hbm>> -> memref<32x128xf32, #tpu.memory_space<hbm>>
    tpu.wait_dma2 semaphore(%arg10 : memref<!tpu.dma_semaphore, #tpu.memory_space<semaphore_mem>>) src(%dma_wait3A_32 : memref<32x128xf32, #tpu.memory_space<hbm>>) dst(%arg6 : memref<32x128xf32, #tpu.memory_space<vmem>>)
    %dma_wait3A_33 = arith.constant 0 : i32
    %dma_wait3A_34 = tpu.memref_slice %arg3[%mul3A_2, %dma_wait3A_33] : memref<4096x128xf32, #tpu.memory_space<hbm>> -> memref<32x128xf32, #tpu.memory_space<hbm>>
    %dma_wait3A_35 = arith.constant 0 : i32
    %dma_wait3A_36 = tpu.memref_slice %arg3[%mul3A_2, %dma_wait3A_35] : memref<4096x128xf32, #tpu.memory_space<hbm>> -> memref<32x128xf32, #tpu.memory_space<hbm>>
    tpu.wait_dma2 semaphore(%arg10 : memref<!tpu.dma_semaphore, #tpu.memory_space<semaphore_mem>>) src(%dma_wait3A_36 : memref<32x128xf32, #tpu.memory_space<hbm>>) dst(%arg7 : memref<32x128xf32, #tpu.memory_space<vmem>>)
    %dma_wait3A_37 = arith.constant 0 : i32
    %dma_wait3A_38 = tpu.memref_slice %arg4[%mul3A_2, %dma_wait3A_37] : memref<4096x128xf32, #tpu.memory_space<hbm>> -> memref<32x128xf32, #tpu.memory_space<hbm>>
    %dma_wait3A_39 = arith.constant 0 : i32
    %dma_wait3A_40 = tpu.memref_slice %arg4[%mul3A_2, %dma_wait3A_39] : memref<4096x128xf32, #tpu.memory_space<hbm>> -> memref<32x128xf32, #tpu.memory_space<hbm>>
    tpu.wait_dma2 semaphore(%arg10 : memref<!tpu.dma_semaphore, #tpu.memory_space<semaphore_mem>>) src(%dma_wait3A_40 : memref<32x128xf32, #tpu.memory_space<hbm>>) dst(%arg8 : memref<32x128xf32, #tpu.memory_space<vmem>>)
    %scan3A = arith.constant 0 : i32
    %scan3A_41 = arith.constant 0 : i32
    %scan3A_42 = arith.constant 32 : i32
    %scan3A_43 = arith.addi %scan3A_41, %scan3A_42 : i32
    %scan3A_44 = arith.constant 1 : i32
    scf.for %scan3A_58 = %scan3A_41 to %scan3A_43 step %scan3A_44  : i32 {
      %get3A = arith.index_cast %scan3A_58 : i32 to index
      %get3A_59 = arith.constant 0 : index
      %get3A_60 = tpu.vector_load %arg7[%get3A, %get3A_59] {strides = array<i32>} : memref<32x128xf32, #tpu.memory_space<vmem>>, vector<1x16xf32>,
      %get3A_61 = vector.shape_cast %get3A_60 : vector<1x16xf32> to vector<16xf32>
      %get3A_62 = arith.index_cast %scan3A_58 : i32 to index
      %get3A_63 = arith.constant 0 : index
      %get3A_64 = tpu.vector_load %arg8[%get3A_62, %get3A_63] {strides = array<i32>} : memref<32x128xf32, #tpu.memory_space<vmem>>, vector<1x16xf32>,
      %get3A_65 = vector.shape_cast %get3A_64 : vector<1x16xf32> to vector<16xf32>
      %mul3A_66 = arith.constant 0.899999976 : f32
      %mul3A_67 = vector.broadcast %mul3A_66 : f32 to vector<16xf32>
      %mul3A_68 = arith.mulf %mul3A_67, %get3A_65 : vector<16xf32>
      %get3A_69 = arith.index_cast %scan3A_58 : i32 to index
      %get3A_70 = arith.constant 0 : index
      %get3A_71 = tpu.vector_load %arg6[%get3A_69, %get3A_70] {strides = array<i32>} : memref<32x128xf32, #tpu.memory_space<vmem>>, vector<1x16xf32>,
      %get3A_72 = vector.shape_cast %get3A_71 : vector<1x16xf32> to vector<16xf32>
      %sub3A = arith.subf %get3A_72, %get3A_61 : vector<16xf32>
      %mul3A_73 = arith.constant 1.000000e-01 : f32
      %mul3A_74 = vector.broadcast %mul3A_73 : f32 to vector<16xf32>
      %mul3A_75 = arith.mulf %mul3A_74, %sub3A : vector<16xf32>
      %add3A_76 = arith.addf %mul3A_68, %mul3A_75 : vector<16xf32>
      %mul3A_77 = arith.constant 1.000000e-01 : f32
      %mul3A_78 = vector.broadcast %mul3A_77 : f32 to vector<16xf32>
      %mul3A_79 = arith.mulf %mul3A_78, %add3A_76 : vector<16xf32>
      %add3A_80 = arith.addf %get3A_61, %mul3A_79 : vector<16xf32>
      %swap3A = arith.index_cast %scan3A_58 : i32 to index
      %swap3A_81 = arith.constant 0 : index
      %swap3A_82 = tpu.vector_load %arg7[%swap3A, %swap3A_81] {strides = array<i32>} : memref<32x128xf32, #tpu.memory_space<vmem>>, vector<1x16xf32>,
      %swap3A_83 = vector.shape_cast %swap3A_82 : vector<1x16xf32> to vector<16xf32>
      %swap3A_84 = vector.shape_cast %add3A_80 : vector<16xf32> to vector<1x16xf32>
      tpu.vector_store %arg7[%swap3A, %swap3A_81], %swap3A_84 {strides = array<i32>} : memref<32x128xf32, #tpu.memory_space<vmem>>, vector<1x16xf32>,
      %get3A_85 = arith.index_cast %scan3A_58 : i32 to index
      %get3A_86 = arith.constant 16 : index
      %get3A_87 = tpu.vector_load %arg7[%get3A_85, %get3A_86] {strides = array<i32>} : memref<32x128xf32, #tpu.memory_space<vmem>>, vector<1x16xf32>,
      %get3A_88 = vector.shape_cast %get3A_87 : vector<1x16xf32> to vector<16xf32>
      %get3A_89 = arith.index_cast %scan3A_58 : i32 to index
      %get3A_90 = arith.constant 16 : index
      %get3A_91 = tpu.vector_load %arg8[%get3A_89, %get3A_90] {strides = array<i32>} : memref<32x128xf32, #tpu.memory_space<vmem>>, vector<1x16xf32>,
      %get3A_92 = vector.shape_cast %get3A_91 : vector<1x16xf32> to vector<16xf32>
      %mul3A_93 = arith.constant 0.899999976 : f32
      %mul3A_94 = vector.broadcast %mul3A_93 : f32 to vector<16xf32>
      %mul3A_95 = arith.mulf %mul3A_94, %get3A_92 : vector<16xf32>
      %get3A_96 = arith.index_cast %scan3A_58 : i32 to index
      %get3A_97 = arith.constant 16 : index
      %get3A_98 = tpu.vector_load %arg6[%get3A_96, %get3A_97] {strides = array<i32>} : memref<32x128xf32, #tpu.memory_space<vmem>>, vector<1x16xf32>,
      %get3A_99 = vector.shape_cast %get3A_98 : vector<1x16xf32> to vector<16xf32>
      %sub3A_100 = arith.subf %get3A_99, %get3A_88 : vector<16xf32>
      %mul3A_101 = arith.constant 1.000000e-01 : f32
      %mul3A_102 = vector.broadcast %mul3A_101 : f32 to vector<16xf32>
      %mul3A_103 = arith.mulf %mul3A_102, %sub3A_100 : vector<16xf32>
      %add3A_104 = arith.addf %mul3A_95, %mul3A_103 : vector<16xf32>
      %mul3A_105 = arith.constant 1.000000e-01 : f32
      %mul3A_106 = vector.broadcast %mul3A_105 : f32 to vector<16xf32>
      %mul3A_107 = arith.mulf %mul3A_106, %add3A_104 : vector<16xf32>
      %add3A_108 = arith.addf %get3A_88, %mul3A_107 : vector<16xf32>
      %swap3A_109 = arith.index_cast %scan3A_58 : i32 to index
      %swap3A_110 = arith.constant 16 : index
      %swap3A_111 = tpu.vector_load %arg7[%swap3A_109, %swap3A_110] {strides = array<i32>} : memref<32x128xf32, #tpu.memory_space<vmem>>, vector<1x16xf32>,
      %swap3A_112 = vector.shape_cast %swap3A_111 : vector<1x16xf32> to vector<16xf32>
      %swap3A_113 = vector.shape_cast %add3A_108 : vector<16xf32> to vector<1x16xf32>
      tpu.vector_store %arg7[%swap3A_109, %swap3A_110], %swap3A_113 {strides = array<i32>} : memref<32x128xf32, #tpu.memory_space<vmem>>, vector<1x16xf32>,
      %get3A_114 = arith.index_cast %scan3A_58 : i32 to index
      %get3A_115 = arith.constant 32 : index
      %get3A_116 = tpu.vector_load %arg7[%get3A_114, %get3A_115] {strides = array<i32>} : memref<32x128xf32, #tpu.memory_space<vmem>>, vector<1x16xf32>,
      %get3A_117 = vector.shape_cast %get3A_116 : vector<1x16xf32> to vector<16xf32>
      %get3A_118 = arith.index_cast %scan3A_58 : i32 to index
      %get3A_119 = arith.constant 32 : index
      %get3A_120 = tpu.vector_load %arg8[%get3A_118, %get3A_119] {strides = array<i32>} : memref<32x128xf32, #tpu.memory_space<vmem>>, vector<1x16xf32>,
      %get3A_121 = vector.shape_cast %get3A_120 : vector<1x16xf32> to vector<16xf32>
      %mul3A_122 = arith.constant 0.899999976 : f32
      %mul3A_123 = vector.broadcast %mul3A_122 : f32 to vector<16xf32>
      %mul3A_124 = arith.mulf %mul3A_123, %get3A_121 : vector<16xf32>
      %get3A_125 = arith.index_cast %scan3A_58 : i32 to index
      %get3A_126 = arith.constant 32 : index
      %get3A_127 = tpu.vector_load %arg6[%get3A_125, %get3A_126] {strides = array<i32>} : memref<32x128xf32, #tpu.memory_space<vmem>>, vector<1x16xf32>,
      %get3A_128 = vector.shape_cast %get3A_127 : vector<1x16xf32> to vector<16xf32>
      %sub3A_129 = arith.subf %get3A_128, %get3A_117 : vector<16xf32>
      %mul3A_130 = arith.constant 1.000000e-01 : f32
      %mul3A_131 = vector.broadcast %mul3A_130 : f32 to vector<16xf32>
      %mul3A_132 = arith.mulf %mul3A_131, %sub3A_129 : vector<16xf32>
      %add3A_133 = arith.addf %mul3A_124, %mul3A_132 : vector<16xf32>
      %mul3A_134 = arith.constant 1.000000e-01 : f32
      %mul3A_135 = vector.broadcast %mul3A_134 : f32 to vector<16xf32>
      %mul3A_136 = arith.mulf %mul3A_135, %add3A_133 : vector<16xf32>
      %add3A_137 = arith.addf %get3A_117, %mul3A_136 : vector<16xf32>
      %swap3A_138 = arith.index_cast %scan3A_58 : i32 to index
      %swap3A_139 = arith.constant 32 : index
      %swap3A_140 = tpu.vector_load %arg7[%swap3A_138, %swap3A_139] {strides = array<i32>} : memref<32x128xf32, #tpu.memory_space<vmem>>, vector<1x16xf32>,
      %swap3A_141 = vector.shape_cast %swap3A_140 : vector<1x16xf32> to vector<16xf32>
      %swap3A_142 = vector.shape_cast %add3A_137 : vector<16xf32> to vector<1x16xf32>
      tpu.vector_store %arg7[%swap3A_138, %swap3A_139], %swap3A_142 {strides = array<i32>} : memref<32x128xf32, #tpu.memory_space<vmem>>, vector<1x16xf32>,
      %get3A_143 = arith.index_cast %scan3A_58 : i32 to index
      %get3A_144 = arith.constant 48 : index
      %get3A_145 = tpu.vector_load %arg7[%get3A_143, %get3A_144] {strides = array<i32>} : memref<32x128xf32, #tpu.memory_space<vmem>>, vector<1x16xf32>,
      %get3A_146 = vector.shape_cast %get3A_145 : vector<1x16xf32> to vector<16xf32>
      %get3A_147 = arith.index_cast %scan3A_58 : i32 to index
      %get3A_148 = arith.constant 48 : index
      %get3A_149 = tpu.vector_load %arg8[%get3A_147, %get3A_148] {strides = array<i32>} : memref<32x128xf32, #tpu.memory_space<vmem>>, vector<1x16xf32>,
      %get3A_150 = vector.shape_cast %get3A_149 : vector<1x16xf32> to vector<16xf32>
      %mul3A_151 = arith.constant 0.899999976 : f32
      %mul3A_152 = vector.broadcast %mul3A_151 : f32 to vector<16xf32>
      %mul3A_153 = arith.mulf %mul3A_152, %get3A_150 : vector<16xf32>
      %get3A_154 = arith.index_cast %scan3A_58 : i32 to index
      %get3A_155 = arith.constant 48 : index
      %get3A_156 = tpu.vector_load %arg6[%get3A_154, %get3A_155] {strides = array<i32>} : memref<32x128xf32, #tpu.memory_space<vmem>>, vector<1x16xf32>,
      %get3A_157 = vector.shape_cast %get3A_156 : vector<1x16xf32> to vector<16xf32>
      %sub3A_158 = arith.subf %get3A_157, %get3A_146 : vector<16xf32>
      %mul3A_159 = arith.constant 1.000000e-01 : f32
      %mul3A_160 = vector.broadcast %mul3A_159 : f32 to vector<16xf32>
      %mul3A_161 = arith.mulf %mul3A_160, %sub3A_158 : vector<16xf32>
      %add3A_162 = arith.addf %mul3A_153, %mul3A_161 : vector<16xf32>
      %mul3A_163 = arith.constant 1.000000e-01 : f32
      %mul3A_164 = vector.broadcast %mul3A_163 : f32 to vector<16xf32>
      %mul3A_165 = arith.mulf %mul3A_164, %add3A_162 : vector<16xf32>
      %add3A_166 = arith.addf %get3A_146, %mul3A_165 : vector<16xf32>
      %swap3A_167 = arith.index_cast %scan3A_58 : i32 to index
      %swap3A_168 = arith.constant 48 : index
      %swap3A_169 = tpu.vector_load %arg7[%swap3A_167, %swap3A_168] {strides = array<i32>} : memref<32x128xf32, #tpu.memory_space<vmem>>, vector<1x16xf32>,
      %swap3A_170 = vector.shape_cast %swap3A_169 : vector<1x16xf32> to vector<16xf32>
      %swap3A_171 = vector.shape_cast %add3A_166 : vector<16xf32> to vector<1x16xf32>
      tpu.vector_store %arg7[%swap3A_167, %swap3A_168], %swap3A_171 {strides = array<i32>} : memref<32x128xf32, #tpu.memory_space<vmem>>, vector<1x16xf32>,
      %get3A_172 = arith.index_cast %scan3A_58 : i32 to index
      %get3A_173 = arith.constant 64 : index
      %get3A_174 = tpu.vector_load %arg7[%get3A_172, %get3A_173] {strides = array<i32>} : memref<32x128xf32, #tpu.memory_space<vmem>>, vector<1x16xf32>,
      %get3A_175 = vector.shape_cast %get3A_174 : vector<1x16xf32> to vector<16xf32>
      %get3A_176 = arith.index_cast %scan3A_58 : i32 to index
      %get3A_177 = arith.constant 64 : index
      %get3A_178 = tpu.vector_load %arg8[%get3A_176, %get3A_177] {strides = array<i32>} : memref<32x128xf32, #tpu.memory_space<vmem>>, vector<1x16xf32>,
      %get3A_179 = vector.shape_cast %get3A_178 : vector<1x16xf32> to vector<16xf32>
      %mul3A_180 = arith.constant 0.899999976 : f32
      %mul3A_181 = vector.broadcast %mul3A_180 : f32 to vector<16xf32>
      %mul3A_182 = arith.mulf %mul3A_181, %get3A_179 : vector<16xf32>
      %get3A_183 = arith.index_cast %scan3A_58 : i32 to index
      %get3A_184 = arith.constant 64 : index
      %get3A_185 = tpu.vector_load %arg6[%get3A_183, %get3A_184] {strides = array<i32>} : memref<32x128xf32, #tpu.memory_space<vmem>>, vector<1x16xf32>,
      %get3A_186 = vector.shape_cast %get3A_185 : vector<1x16xf32> to vector<16xf32>
      %sub3A_187 = arith.subf %get3A_186, %get3A_175 : vector<16xf32>
      %mul3A_188 = arith.constant 1.000000e-01 : f32
      %mul3A_189 = vector.broadcast %mul3A_188 : f32 to vector<16xf32>
      %mul3A_190 = arith.mulf %mul3A_189, %sub3A_187 : vector<16xf32>
      %add3A_191 = arith.addf %mul3A_182, %mul3A_190 : vector<16xf32>
      %mul3A_192 = arith.constant 1.000000e-01 : f32
      %mul3A_193 = vector.broadcast %mul3A_192 : f32 to vector<16xf32>
      %mul3A_194 = arith.mulf %mul3A_193, %add3A_191 : vector<16xf32>
      %add3A_195 = arith.addf %get3A_175, %mul3A_194 : vector<16xf32>
      %swap3A_196 = arith.index_cast %scan3A_58 : i32 to index
      %swap3A_197 = arith.constant 64 : index
      %swap3A_198 = tpu.vector_load %arg7[%swap3A_196, %swap3A_197] {strides = array<i32>} : memref<32x128xf32, #tpu.memory_space<vmem>>, vector<1x16xf32>,
      %swap3A_199 = vector.shape_cast %swap3A_198 : vector<1x16xf32> to vector<16xf32>
      %swap3A_200 = vector.shape_cast %add3A_195 : vector<16xf32> to vector<1x16xf32>
      tpu.vector_store %arg7[%swap3A_196, %swap3A_197], %swap3A_200 {strides = array<i32>} : memref<32x128xf32, #tpu.memory_space<vmem>>, vector<1x16xf32>,
      %get3A_201 = arith.index_cast %scan3A_58 : i32 to index
      %get3A_202 = arith.constant 80 : index
      %get3A_203 = tpu.vector_load %arg7[%get3A_201, %get3A_202] {strides = array<i32>} : memref<32x128xf32, #tpu.memory_space<vmem>>, vector<1x16xf32>,
      %get3A_204 = vector.shape_cast %get3A_203 : vector<1x16xf32> to vector<16xf32>
      %get3A_205 = arith.index_cast %scan3A_58 : i32 to index
      %get3A_206 = arith.constant 80 : index
      %get3A_207 = tpu.vector_load %arg8[%get3A_205, %get3A_206] {strides = array<i32>} : memref<32x128xf32, #tpu.memory_space<vmem>>, vector<1x16xf32>,
      %get3A_208 = vector.shape_cast %get3A_207 : vector<1x16xf32> to vector<16xf32>
      %mul3A_209 = arith.constant 0.899999976 : f32
      %mul3A_210 = vector.broadcast %mul3A_209 : f32 to vector<16xf32>
      %mul3A_211 = arith.mulf %mul3A_210, %get3A_208 : vector<16xf32>
      %get3A_212 = arith.index_cast %scan3A_58 : i32 to index
      %get3A_213 = arith.constant 80 : index
      %get3A_214 = tpu.vector_load %arg6[%get3A_212, %get3A_213] {strides = array<i32>} : memref<32x128xf32, #tpu.memory_space<vmem>>, vector<1x16xf32>,
      %get3A_215 = vector.shape_cast %get3A_214 : vector<1x16xf32> to vector<16xf32>
      %sub3A_216 = arith.subf %get3A_215, %get3A_204 : vector<16xf32>
      %mul3A_217 = arith.constant 1.000000e-01 : f32
      %mul3A_218 = vector.broadcast %mul3A_217 : f32 to vector<16xf32>
      %mul3A_219 = arith.mulf %mul3A_218, %sub3A_216 : vector<16xf32>
      %add3A_220 = arith.addf %mul3A_211, %mul3A_219 : vector<16xf32>
      %mul3A_221 = arith.constant 1.000000e-01 : f32
      %mul3A_222 = vector.broadcast %mul3A_221 : f32 to vector<16xf32>
      %mul3A_223 = arith.mulf %mul3A_222, %add3A_220 : vector<16xf32>
      %add3A_224 = arith.addf %get3A_204, %mul3A_223 : vector<16xf32>
      %swap3A_225 = arith.index_cast %scan3A_58 : i32 to index
      %swap3A_226 = arith.constant 80 : index
      %swap3A_227 = tpu.vector_load %arg7[%swap3A_225, %swap3A_226] {strides = array<i32>} : memref<32x128xf32, #tpu.memory_space<vmem>>, vector<1x16xf32>,
      %swap3A_228 = vector.shape_cast %swap3A_227 : vector<1x16xf32> to vector<16xf32>
      %swap3A_229 = vector.shape_cast %add3A_224 : vector<16xf32> to vector<1x16xf32>
      tpu.vector_store %arg7[%swap3A_225, %swap3A_226], %swap3A_229 {strides = array<i32>} : memref<32x128xf32, #tpu.memory_space<vmem>>, vector<1x16xf32>,
      %get3A_230 = arith.index_cast %scan3A_58 : i32 to index
      %get3A_231 = arith.constant 96 : index
      %get3A_232 = tpu.vector_load %arg7[%get3A_230, %get3A_231] {strides = array<i32>} : memref<32x128xf32, #tpu.memory_space<vmem>>, vector<1x16xf32>,
      %get3A_233 = vector.shape_cast %get3A_232 : vector<1x16xf32> to vector<16xf32>
      %get3A_234 = arith.index_cast %scan3A_58 : i32 to index
      %get3A_235 = arith.constant 96 : index
      %get3A_236 = tpu.vector_load %arg8[%get3A_234, %get3A_235] {strides = array<i32>} : memref<32x128xf32, #tpu.memory_space<vmem>>, vector<1x16xf32>,
      %get3A_237 = vector.shape_cast %get3A_236 : vector<1x16xf32> to vector<16xf32>
      %mul3A_238 = arith.constant 0.899999976 : f32
      %mul3A_239 = vector.broadcast %mul3A_238 : f32 to vector<16xf32>
      %mul3A_240 = arith.mulf %mul3A_239, %get3A_237 : vector<16xf32>
      %get3A_241 = arith.index_cast %scan3A_58 : i32 to index
      %get3A_242 = arith.constant 96 : index
      %get3A_243 = tpu.vector_load %arg6[%get3A_241, %get3A_242] {strides = array<i32>} : memref<32x128xf32, #tpu.memory_space<vmem>>, vector<1x16xf32>,
      %get3A_244 = vector.shape_cast %get3A_243 : vector<1x16xf32> to vector<16xf32>
      %sub3A_245 = arith.subf %get3A_244, %get3A_233 : vector<16xf32>
      %mul3A_246 = arith.constant 1.000000e-01 : f32
      %mul3A_247 = vector.broadcast %mul3A_246 : f32 to vector<16xf32>
      %mul3A_248 = arith.mulf %mul3A_247, %sub3A_245 : vector<16xf32>
      %add3A_249 = arith.addf %mul3A_240, %mul3A_248 : vector<16xf32>
      %mul3A_250 = arith.constant 1.000000e-01 : f32
      %mul3A_251 = vector.broadcast %mul3A_250 : f32 to vector<16xf32>
      %mul3A_252 = arith.mulf %mul3A_251, %add3A_249 : vector<16xf32>
      %add3A_253 = arith.addf %get3A_233, %mul3A_252 : vector<16xf32>
      %swap3A_254 = arith.index_cast %scan3A_58 : i32 to index
      %swap3A_255 = arith.constant 96 : index
      %swap3A_256 = tpu.vector_load %arg7[%swap3A_254, %swap3A_255] {strides = array<i32>} : memref<32x128xf32, #tpu.memory_space<vmem>>, vector<1x16xf32>,
      %swap3A_257 = vector.shape_cast %swap3A_256 : vector<1x16xf32> to vector<16xf32>
      %swap3A_258 = vector.shape_cast %add3A_253 : vector<16xf32> to vector<1x16xf32>
      tpu.vector_store %arg7[%swap3A_254, %swap3A_255], %swap3A_258 {strides = array<i32>} : memref<32x128xf32, #tpu.memory_space<vmem>>, vector<1x16xf32>,
      %get3A_259 = arith.index_cast %scan3A_58 : i32 to index
      %get3A_260 = arith.constant 112 : index
      %get3A_261 = tpu.vector_load %arg7[%get3A_259, %get3A_260] {strides = array<i32>} : memref<32x128xf32, #tpu.memory_space<vmem>>, vector<1x16xf32>,
      %get3A_262 = vector.shape_cast %get3A_261 : vector<1x16xf32> to vector<16xf32>
      %get3A_263 = arith.index_cast %scan3A_58 : i32 to index
      %get3A_264 = arith.constant 112 : index
      %get3A_265 = tpu.vector_load %arg8[%get3A_263, %get3A_264] {strides = array<i32>} : memref<32x128xf32, #tpu.memory_space<vmem>>, vector<1x16xf32>,
      %get3A_266 = vector.shape_cast %get3A_265 : vector<1x16xf32> to vector<16xf32>
      %mul3A_267 = arith.constant 0.899999976 : f32
      %mul3A_268 = vector.broadcast %mul3A_267 : f32 to vector<16xf32>
      %mul3A_269 = arith.mulf %mul3A_268, %get3A_266 : vector<16xf32>
      %get3A_270 = arith.index_cast %scan3A_58 : i32 to index
      %get3A_271 = arith.constant 112 : index
      %get3A_272 = tpu.vector_load %arg6[%get3A_270, %get3A_271] {strides = array<i32>} : memref<32x128xf32, #tpu.memory_space<vmem>>, vector<1x16xf32>,
      %get3A_273 = vector.shape_cast %get3A_272 : vector<1x16xf32> to vector<16xf32>
      %sub3A_274 = arith.subf %get3A_273, %get3A_262 : vector<16xf32>
      %mul3A_275 = arith.constant 1.000000e-01 : f32
      %mul3A_276 = vector.broadcast %mul3A_275 : f32 to vector<16xf32>
      %mul3A_277 = arith.mulf %mul3A_276, %sub3A_274 : vector<16xf32>
      %add3A_278 = arith.addf %mul3A_269, %mul3A_277 : vector<16xf32>
      %mul3A_279 = arith.constant 1.000000e-01 : f32
      %mul3A_280 = vector.broadcast %mul3A_279 : f32 to vector<16xf32>
      %mul3A_281 = arith.mulf %mul3A_280, %add3A_278 : vector<16xf32>
      %add3A_282 = arith.addf %get3A_262, %mul3A_281 : vector<16xf32>
      %swap3A_283 = arith.index_cast %scan3A_58 : i32 to index
      %swap3A_284 = arith.constant 112 : index
      %swap3A_285 = tpu.vector_load %arg7[%swap3A_283, %swap3A_284] {strides = array<i32>} : memref<32x128xf32, #tpu.memory_space<vmem>>, vector<1x16xf32>,
      %swap3A_286 = vector.shape_cast %swap3A_285 : vector<1x16xf32> to vector<16xf32>
      %swap3A_287 = vector.shape_cast %add3A_282 : vector<16xf32> to vector<1x16xf32>
      tpu.vector_store %arg7[%swap3A_283, %swap3A_284], %swap3A_287 {strides = array<i32>} : memref<32x128xf32, #tpu.memory_space<vmem>>, vector<1x16xf32>,
    }
    %scan3A_45 = arith.constant 32 : i32
    %dma_start3A_46 = arith.constant 0 : i32
    %dma_start3A_47 = tpu.memref_slice %arg5[%mul3A_2, %dma_start3A_46] : memref<4096x128xf32, #tpu.memory_space<hbm>> -> memref<32x128xf32, #tpu.memory_space<hbm>>
    %dma_start3A_48 = arith.constant 0 : i32
    %dma_start3A_49 = tpu.memref_slice %arg5[%mul3A_2, %dma_start3A_48] : memref<4096x128xf32, #tpu.memory_space<hbm>> -> memref<32x128xf32, #tpu.memory_space<hbm>>
    tpu.enqueue_dma source(%arg7 : memref<32x128xf32, #tpu.memory_space<vmem>>) target(%dma_start3A_49 : memref<32x128xf32, #tpu.memory_space<hbm>>) target_semaphore(%arg12 : memref<!tpu.dma_semaphore, #tpu.memory_space<semaphore_mem>>)
    %dma_wait3A_50 = arith.constant 0 : i32
    %dma_wait3A_51 = tpu.memref_slice %arg5[%add3A_6, %dma_wait3A_50] : memref<4096x128xf32, #tpu.memory_space<hbm>> -> memref<96x128xf32, #tpu.memory_space<hbm>>
    %dma_wait3A_52 = arith.constant 0 : i32
    %dma_wait3A_53 = tpu.memref_slice %arg5[%add3A_6, %dma_wait3A_52] : memref<4096x128xf32, #tpu.memory_space<hbm>> -> memref<96x128xf32, #tpu.memory_space<hbm>>
    tpu.wait_dma2 semaphore(%arg12 : memref<!tpu.dma_semaphore, #tpu.memory_space<semaphore_mem>>) src(%arg9 : memref<96x128xf32, #tpu.memory_space<vmem>>) dst(%dma_wait3A_53 : memref<96x128xf32, #tpu.memory_space<hbm>>)
    %dma_wait3A_54 = arith.constant 0 : i32
    %dma_wait3A_55 = tpu.memref_slice %arg5[%mul3A_2, %dma_wait3A_54] : memref<4096x128xf32, #tpu.memory_space<hbm>> -> memref<32x128xf32, #tpu.memory_space<hbm>>
    %dma_wait3A_56 = arith.constant 0 : i32
    %dma_wait3A_57 = tpu.memref_slice %arg5[%mul3A_2, %dma_wait3A_56] : memref<4096x128xf32, #tpu.memory_space<hbm>> -> memref<32x128xf32, #tpu.memory_space<hbm>>
    tpu.wait_dma2 semaphore(%arg12 : memref<!tpu.dma_semaphore, #tpu.memory_space<semaphore_mem>>) src(%arg7 : memref<32x128xf32, #tpu.memory_space<vmem>>) dst(%dma_wait3A_57 : memref<32x128xf32, #tpu.memory_space<hbm>>)
    return
  }
}

</mosaic_0001>

<sc_bundles>
// kernel: kernel.3.cloned.1.call-start
scs
__scs_entry_jumppad:
0x0: {  	(pc) =	sbr.rel $0x88, $3  }
0x1: {  	(tag) =	ssettag $0x0;
	lr =	simm.s32 $0x1  }
0x2: {  	[smem:$0x3F9E] =	sst lr;
	_ =	strace $0xD0000000  }
0x3: {  	_ = 	snop  }
0x4: {  	_ = 	snop  }
0x5: {  	_ = 	snop  }
0x6: {  	_ = 	snop  }
0x7: {  	_ = 	snop  }
__scs_overlays_trampoline_lowered:
0x8: {  	[smem:$0x3FAD] =	sst s0  }
0x9: {  	[smem:$0x3FAE] =	sst s1  }
0xa: {  	[smem:$0x3FAF] =	sst s2  }
0xb: {  	[smem:$0x3FB0] =	sst s3  }
0xc: {  	[smem:$0x3FB1] =	sst s4  }
0xd: {  	[smem:$0x3FB2] =	sst s5  }
0xe: {  	[smem:$0x3FB3] =	sst s6  }
0xf: {  	[smem:$0x3FB4] =	sst s7  }
0x10: {  	[smem:$0x3FB5] =	sst s8  }
0x11: {  	[smem:$0x3FB6] =	sst s9;
	s0 =	simm.s32 @!p0 $0x0  }
0x12: {  	s1 =	sld [smem:$0x3F9C];
	s0 =	simm.s32 @p0 $0x1  }
0x13: {  	[smem:$0x3FB7] =	sst s0;
	s0 =	simm.s32 @!p1 $0x0  }
0x14: {  	s2 =	sld [smem:$0x3F9B];
	s0 =	simm.s32 @p1 $0x1  }
0x15: {  	[smem:$0x3FB8] =	sst s0;
	s0 =	simm.s32 @!p2 $0x0  }
0x16: {  	s3 =	sld [smem:$0x3FDB];
	s0 =	simm.s32 @p2 $0x1  }
0x17: {  	s4 =	simm.s32 $0x1BF5;
	[smem:$0x3FBA] =	sst s0  }
0x18: {  	s0 =	sld [smem:$0x3F9D];
	_ =	swait.ge [sflag:s4], $0x0  }
0x19: {  	s7 =	sld [smem:$0x3F9E]  }
0x1a: {  	s8 =	sadd.s32 $0xFFFFE003, lr  }
0x1b: {  	s9 =	sadd.s32 $0xFFFFFEF7, lr;
	s5 =	simm.s32 $0xFFFFFFFF;
	p2 =	slt.u32 s8, $0xFFFFF086  }
0x1c: {  	p1 =	slt.u32 s9, $0xF7A;
	s5 =	simm.s32 @!p2 $0x0  }
0x1d: {  	s5 =	simm.s32 @p1 $0x1;
	p0 =	seq.s32 s7, s2  }
0x1e: {  	s7 =	smul.u32 @!p0 $0xF7A, s2;
	p2 =	seq.s32 @!p0 s5, $0x0  }
0x1f: {  	s9 =	smul.u32 $0xF7A, s1;
	s8 =	simm.s32 @!p0 $0x1BF5;
	p2 =	por !p2, p0  }
0x20: {  	[sflag:s8] =	ssyncset.s32 @!p0 $0xFFFFF086;
	s6 =	sadd.s32 @!p0 s3, s7;
	s7 =	simm.s32 @!p0 $0x108  }
0x21: {  	s3 =	sadd.s32 s3, s9;
	s6 =	sadd.s32 @!p0 $0x88, s6;
	s7 =	simm.s32 @p2 $0x1082  }
0x22: {  	[simem:s7], [sflag:s8] =	dma.local @!p0 [hbm:s6], $0xF7A  }
0x23: {  	s9 =	sor.u32 $0xD0000000, s2;
	s6 =	simm.s32 $0x108;
	_ =	swait.ge @!p0 [sflag:s8], $0x0  }
0x24: {  	s3 =	sadd.s32 $0x88, s3;
	s6 =	simm.s32 @!p1 $0x1082;
	[sflag:s4] =	ssyncset.s32 $0xFFFFF086  }
0x25: {  	[simem:s6], [sflag:s4] =	dma.local [hbm:s3], $0xF7A  }
0x26: {  	[smem:$0x3F9E] =	sst s1;
	(tag) =	ssettag s2;
	_ =	strace s9  }
0x27: {  	s1 =	sld [smem:$0x3FAE]  }
0x28: {  	s2 =	sld [smem:$0x3FAF]  }
0x29: {  	s4 =	sld [smem:$0x3FB1]  }
0x2a: {  	p0 =	seq.s32 s5, $0x0;
	s5 =	sld [smem:$0x3FB2]  }
0x2b: {  	s6 =	sld [smem:$0x3FB3]  }
0x2c: {  	s7 =	sld [smem:$0x3FB4]  }
0x2d: {  	s3 =	simm.s32 $0x108;
	s8 =	sld [smem:$0x3FB5]  }
0x2e: {  	s3 =	simm.s32 @!p0 $0x1082;
	s9 =	sld [smem:$0x3FB6]  }
0x2f: {  	lr =	sadd.s32 s0, s3;
	s0 =	sld [smem:$0x3FAD]  }
0x30: {  	s3 =	sld [smem:$0x3FB0]  }
0x31: {  	[smem:$0x3FB9] =	sst s10  }
0x32: {  	s10 =	sld [smem:$0x3FB7];
	_ =	sdelay $0x3  }
0x33: {  	p0 =	seq.s32 s10, $0x1;
	s10 =	sld [smem:$0x3FB9];
	_ =	sdelay $0x3  }
0x34: {  	[smem:$0x3FB9] =	sst s10  }
0x35: {  	s10 =	sld [smem:$0x3FB8];
	_ =	sdelay $0x3  }
0x36: {  	p1 =	seq.s32 s10, $0x1;
	s10 =	sld [smem:$0x3FB9];
	_ =	sdelay $0x3  }
0x37: {  	[smem:$0x3FB9] =	sst s10  }
0x38: {  	s10 =	sld [smem:$0x3FBA]  }
0x39: {  	_ = 	snop;
	(pc) =	sbr.ind lr, $3  }
0x3a: {  	_ = 	snop  }
0x3b: {  	_ = 	snop  }
0x3c: {  	p2 =	seq.s32 s10, $0x1;
	s10 =	sld [smem:$0x3FB9]  }
0x3d: {  	_ =	shalt  }
0x3e: {  	_ =	shalt  }
0x3f: {  	_ =	shalt  }
0x40: {  	_ =	shalt  }
0x41: {  	_ =	shalt  }
0x42: {  	_ =	shalt  }
0x43: {  	_ =	shalt  }
0x44: {  	_ =	shalt  }
0x45: {  	_ =	shalt  }
0x46: {  	_ =	shalt  }
0x47: {  	_ =	shalt  }
0x48: {  	_ =	shalt  }
0x49: {  	_ =	shalt  }
0x4a: {  	_ =	shalt  }
0x4b: {  	_ =	shalt  }
0x4c: {  	_ =	shalt  }
0x4d: {  	_ =	shalt  }
0x4e: {  	_ =	shalt  }
0x4f: {  	_ =	shalt  }
0x50: {  	_ =	shalt  }
0x51: {  	_ =	shalt  }
0x52: {  	_ =	shalt  }
0x53: {  	_ =	shalt  }
0x54: {  	_ =	shalt  }
0x55: {  	_ =	shalt  }
0x56: {  	_ =	shalt  }
0x57: {  	_ =	shalt  }
0x58: {  	_ =	shalt  }
0x59: {  	_ =	shalt  }
0x5a: {  	_ =	shalt  }
0x5b: {  	_ =	shalt  }
0x5c: {  	_ =	shalt  }
0x5d: {  	_ =	shalt  }
0x5e: {  	_ =	shalt  }
0x5f: {  	_ =	shalt  }
0x60: {  	_ =	shalt  }
0x61: {  	_ =	shalt  }
0x62: {  	_ =	shalt  }
0x63: {  	_ =	shalt  }
0x64: {  	_ =	shalt  }
0x65: {  	_ =	shalt  }
0x66: {  	_ =	shalt  }
0x67: {  	_ =	shalt  }
0x68: {  	_ =	shalt  }
0x69: {  	_ =	shalt  }
0x6a: {  	_ =	shalt  }
0x6b: {  	_ =	shalt  }
0x6c: {  	_ =	shalt  }
0x6d: {  	_ =	shalt  }
0x6e: {  	_ =	shalt  }
0x6f: {  	_ =	shalt  }
0x70: {  	_ =	shalt  }
0x71: {  	_ =	shalt  }
0x72: {  	_ =	shalt  }
0x73: {  	_ =	shalt  }
0x74: {  	_ =	shalt  }
0x75: {  	_ =	shalt  }
0x76: {  	_ =	shalt  }
0x77: {  	_ =	shalt  }
0x78: {  	_ =	shalt  }
0x79: {  	_ =	shalt  }
0x7a: {  	_ =	shalt  }
0x7b: {  	_ =	shalt  }
0x7c: {  	_ =	shalt  }
0x7d: {  	_ =	shalt  }
0x7e: {  	_ =	shalt  }
0x7f: {  	_ =	shalt  }
0x80: {  	_ =	shalt  }
0x81: {  	_ =	shalt  }
0x82: {  	_ =	shalt  }
0x83: {  	_ =	shalt  }
0x84: {  	_ =	shalt  }
0x85: {  	_ =	shalt  }
0x86: {  	_ =	shalt  }
0x87: {  	_ =	shalt  }
.Lfunc_end0:
.L_simem_size_0:
called_computation_lowered:
.L_overlay_start_0:
0x88: {  	s2 =	sld [smem:$0x3FD9]  }
0x89: {  	s3 =	sld [smem:$0x3FFE];
	_ =	sdelay $0x1  }
0x8a: {  	s1 =	srdreg.scid  }
0x8b: {  	s0 =	sand.u32 $0x1, s1  }
0x8c: {  	s18 =	sshll.u32 s0, $0xA;
	s2 =	sadd.s32 s3, s2  }
0x8d: {  	s2 =	sadd.s32 s2, s18  }
0x8e: {  	[smem:$0x3FC5] =	sst s2  }
0x8f: {  	_ = 	snop  }
0x90: {  	s2 =	sld [smem:$0x3FC9]  }
0x91: {  	s19 =	sld [smem:$0x3FC8]  }
0x92: {  	s4 =	sld [smem:$0x3FC7]  }
0x93: {  	s5 =	sld [smem:$0x3FD0];
	(tm) =	ssettm $0x1  }
0x94: {  	s6 =	sld [smem:$0x3FFB];
	_ =	sdelay $0x3  }
0x95: {  	_ =	strace s6  }
0x96: {  	s6 =	sld [smem:$0x3FFC];
	_ =	sdelay $0x3  }
0x97: {  	_ =	strace s6  }
0x98: {  	s6 =	sld [smem:$0x3FFD];
	_ =	sdelay $0x3  }
0x99: {  	_ =	strace s6  }
0x9a: {  	_ =	strace $0x8FFFFFFF  }
0x9b: {  	s20 =	sld [smem:$0x3FDB];
	_ =	sdelay $0x1  }
0x9c: {  	s7 =	simm.s32 $_scs_section_size  }
0x9d: {  	s8 =	simm.s32 $_size__tile_overlayer_lowered;
	s9 =	simm.s32 $_tile_overlayer_lowered  }
0x9e: {  	s23 =	simm.s32 $0x1BFF;
	s22 =	sshll.u32 s9, $0x1;
	s6 =	sadd.s32 s7, s20  }
0x9f: {  	s10 =	simm.s32 $0x0;
	s21 =	sshll.u32 s8, $0x1;
	s8 =	sadd.s32 s22, s6  }
0xa0: {  	[timem:s10], [sflag:s23] =	dma.local [hbm:s8], s21  }
0xa1: {  	_ =	swait.ge [sflag:s23], s21  }
0xa2: {  	s7 =	ssub.s32 $0x0, s21;
	[sflag:s23] =	ssyncset.done $0x0  }
0xa3: {  	[sflag:s23] =	ssyncadd.s32 s7;
	_ =	sdelay $0x1  }
0xa4: {  	s24 =	simm.s32 $0x1B8B  }
0xa5: {  	_ =	swait.ge [sflag:s24], $0x1  }
0xa6: {  	[sflag:s24] =	ssyncset.done $0x0  }
0xa7: {  	s25 =	simm.s32 $0x1B8E;
	[sflag:s24] =	ssyncadd.s32 $0xFFFFFFFF  }
0xa8: {  	s26 =	simm.s32 $execute0_lowered;
	[smem:$0x3FD2] =	sst s25  }
0xa9: {  	s7 =	sshll.u32 s26, $0x1;
	_ =	strace $0x80000046;
	[dreg:$0x1] =	wrdreg $0xFFFFFFFF  }
0xaa: {  	s28 =	simm.s32 $_size_execute0_lowered;
	s6 =	sadd.s32 s6, s7;
	[dreg:$0x0] =	wrdreg $0x0  }
0xab: {  	s7 =	sshll.u32 s28, $0x1;
	[dreg:$0x2] =	wrdreg s6  }
0xac: {  	[dreg:$0x3] =	wrdreg s7  }
0xad: {  	[dreg:$0x4] =	wrdreg $0xC0  }
0xae: {  	_ =	task [dreg:s10], $0x5FFFF  }
0xaf: {  	[dreg:$0x1] =	wrdreg $0xFFFFFFFF  }
0xb0: {  	[dreg:$0x0] =	wrdreg $0x60  }
0xb1: {  	[dreg:$0x2] =	wrdreg s2  }
0xb2: {  	[dreg:$0x3] =	wrdreg s19  }
0xb3: {  	[dreg:$0x4] =	wrdreg s4  }
0xb4: {  	[dreg:$0x5] =	wrdreg s5  }
0xb5: {  	[dreg:$0x6] =	wrdreg $0x9  }
0xb6: {  	_ =	task.clear_ibuf [dreg:s10], $0x7FFFF;
	_ =	strace $0x90000046  }
0xb7: {  	s29 =	simm.s32 $0x9;
	_ =	strace $0x80000048  }
0xb8: {  	_ =	swait.ge [sflag:s29], $0x1  }
0xb9: {  	[sflag:s29] =	ssyncadd.s32 $0xFFFFFFFF  }
0xba: {  	_ =	strace $0x90000048  }
0xbb: {  	_ =	sfence  }
0xbc: {  	s30 =	sld [smem:$0x0];
	_ =	sdelay $0x2  }
0xbd: {  	s31 =	sshll.u32 s1, $0xD;
	s1 =	sshrl.u32 s1, $0x2  }
0xbe: {  	s3 =	sand.u32 $0x4000, s31;
	s1 =	sadd.s32 s1, s30  }
0xbf: {  	s0 =	sor.u32 s3, s0;
	s1 =	sshll.u32 s1, $0x11  }
0xc0: {  	s0 =	sor.u32 s1, s0  }
0xc1: {  	s0 =	sadd.s32 $0x8F2B, s0  }
0xc2: {  	[sflag:s0] =	ssyncadd.remote.s32 $0x1  }
0xc3: {  	_ =	sfence.sel $0xFFFF  }
0xc4: {  	[dreg:$0x0] =	wrdreg $0xFFFFFFFF;
	(pc) =	sbr.abs _section_cstart, $3  }
0xc5: {  	[dreg:$0x1] =	wrdreg $0xFFFFFFFF  }
0xc6: {  	_ =	task.clear_ibuf [dreg:s10], $0x2FFFF;
	_ =	strace $0x9FFFFFFF  }
0xc7: {  	(tm) =	ssettm $0x7FFFFFFF  }
tec
execute0_lowered:
.L_overlay_start_1:
0x0: {  	(tag) =	ssettag $0x1  }
0x1: {  	s4 =	rddreg [dreg:$0x0]  }
0x2: {  	s5 =	rddreg [dreg:$0x1]  }
0x3: {  	s1 =	srdreg.scid;
	s6 =	rddreg [dreg:$0x2]  }
0x4: {  	s0 =	stileid.u32;
	s8 =	rddreg [dreg:$0x3];
	s2 =	simm.s32 $0x0  }
0x5: {  	s12 =	simm.s32 $0x2000;
	s3 =	sand.u32 $0x1, s1;
	s31 =	sshll.u32 s0, $0x1  }
0x6: {  	s13 =	simm.s32 $0x2;
	s14 =	simm.s32 $0x1;
	s7 =	sor.u32 s3, s31  }
0x7: {  	s15 =	simm.s32 $0x3;
	s1 =	rddreg [dreg:$0x4];
	s9 =	smul.u32 $0x3000, s7  }
0x8: {  	s16 =	simm.s32 $0x0;
	[smem:$0x7FF] =	sst s2;
	s3 =	ssub.s32 $0x2, s3  }
0x9: {  	_ =	strace $0x80000047;
	s10 =	sshrl.u32 s3, $0x1;
	s9 =	sshrl.u32 s9, $0x3  }
0xa: {  	s11 =	sshll.u32 s7, $0x9;
	s10 =	ssub.s32 s3, s10;
	s9 =	sadd.s32 $0x4000, s9  }
0xb: {  	s4 =	sadd.s32 s4, s11;
	s6 =	sadd.s32 s6, s11;
	s3 =	sadd.s32 s5, s9  }
0xc: {  	s5 =	sadd.s32 s5, s11;
	s7 =	sadd.s32 s8, s9;
	s8 =	sadd.s32 s8, s11  }
0xd: {  	s9 =	smax.u32 s10, $0x1;
	s10 =	simm.s32 $0x3000;
	s11 =	simm.s32 $0x1000  }
.LBB2_1:
0xe: {  	[tilespmem:s10], [sflag:$0x2] =	stream.linear.gather [hbm4b:s3+s2], $0x3000, $0x38;
	[tilespmem:$0x6000] =	vst v63  }
0xf: {  	_ = 	snop  }
0x10: {  	[tilespmem:s2], [sflag:$0x1] =	stream.linear.gather [hbm4b:s4+s2], $0x1000, $0x38;
	[tilespmem:$0x6000] =	vst v63  }
0x11: {  	_ = 	snop  }
0x12: {  	[tilespmem:s11], [sflag:$0x1] =	stream.linear.gather [hbm4b:s5+s2], $0x1000, $0x38;
	[tilespmem:$0x6000] =	vst v63  }
0x13: {  	_ = 	snop  }
0x14: {  	[tilespmem:s12], [sflag:$0x1] =	stream.linear.gather [hbm4b:s6+s2], $0x1000, $0x38;
	[tilespmem:$0x6000] =	vst v63  }
0x15: {  	_ =	swait.ge [sflag:s13], $0x3000  }
0x16: {  	[sflag:s13] =	ssyncset.done $0x0  }
0x17: {  	[sflag:s13] =	ssyncadd.s32 $0xFFFFD000  }
0x18: {  	[hbm4b:s7+s2] =	stream.linear.scatter [tilespmem:s10], [sflag:$0x3], $0x3000, $0x38;
	[tilespmem:$0x6000] =	vst v63  }
0x19: {  	_ =	swait.ge [sflag:s14], $0x1000  }
0x1a: {  	[sflag:s14] =	ssyncset.done $0x0  }
0x1b: {  	[sflag:s14] =	ssyncadd.s32 $0xFFFFF000  }
0x1c: {  	_ =	swait.ge [sflag:s14], $0x1000  }
0x1d: {  	[sflag:s14] =	ssyncset.done $0x0  }
0x1e: {  	[sflag:s14] =	ssyncadd.s32 $0xFFFFF000  }
0x1f: {  	_ =	swait.ge [sflag:s14], $0x1000  }
0x20: {  	[sflag:s14] =	ssyncset.done $0x0  }
0x21: {  	s17 =	simm.s32 $0x0;
	[sflag:s14] =	ssyncadd.s32 $0xFFFFF000  }
0x22: {  	v1 =	vld [tilespmem:s17+$0x2000]  }
0x23: {  	v2 =	vld [tilespmem:s17+$0x2010]  }
0x24: {  	v3 =	vld [tilespmem:s17+$0x2020]  }
0x25: {  	v14 =	vld [tilespmem:s17+$0x2030]  }
0x26: {  	v15 =	vld [tilespmem:s17+$0x2040]  }
0x27: {  	v21 =	vld [tilespmem:s17+$0x2050]  }
0x28: {  	v22 =	vld [tilespmem:s17+$0x2060]  }
0x29: {  	v0 =	vld [tilespmem:s17+$0x2070]  }
0x2a: {  	v4 =	vld [tilespmem:s17+$0x0]  }
0x2b: {  	v5 =	vld [tilespmem:s17+$0x10]  }
0x2c: {  	v12 =	vld [tilespmem:s17+$0x20]  }
0x2d: {  	v10 =	vld [tilespmem:s17+$0x30]  }
0x2e: {  	v9 =	vld [tilespmem:s17+$0x1000]  }
0x2f: {  	v7 =	vld [tilespmem:s17+$0x1010]  }
0x30: {  	v13 =	vld [tilespmem:s17+$0x40]  }
0x31: {  	v11 =	vld [tilespmem:s17+$0x50]  }
0x32: {  	v8 =	vld [tilespmem:s17+$0x60]  }
0x33: {  	v6 =	vld [tilespmem:s17+$0x70];
	v4 =	vsub.f32 v4, v9  }
0x34: {  	v16 =	vmul.f32 $8.999999760e-01, v1;
	v1 =	vsub.f32 v5, v7;
	v5 =	vld [tilespmem:s17+$0x1020]  }
0x35: {  	v2 =	vmul.f32 $8.999999760e-01, v2;
	v17 =	vmul.f32 $1.000000010e-01, v4;
	v4 =	vld [tilespmem:s17+$0x1030]  }
0x36: {  	v18 =	vmul.f32 $8.999999760e-01, v3;
	v20 =	vmul.f32 $1.000000010e-01, v1;
	v1 =	vld [tilespmem:s17+$0x1040]  }
0x37: {  	v3 =	vld [tilespmem:s17+$0x1050];
	v19 =	vadd.f32 v17, v16;
	v17 =	vmul.f32 $8.999999760e-01, v14;
	v16 =	vmul.f32 $8.999999760e-01, v15  }
0x38: {  	s18 =	simm.s32 $0x200;
	v20 =	vadd.f32 v20, v2;
	v15 =	vmul.f32 $8.999999760e-01, v21;
	v2 =	vld [tilespmem:s17+$0x1060];
	v14 =	vmul.f32 $8.999999760e-01, v22  }
.LBB2_2:
0x39: {  	s19 =	sshra.s32 s18, $0x2;
	p0 =	sne.s32 s18, $0x3E00;
	v19 =	vmul.f32 $1.000000010e-01, v19;
	v12 =	vsub.f32 v12, v5;
	v21 =	vld [tilespmem:s17+$0x1070]  }
0x3a: {  	v23 =	vmul.f32 $8.999999760e-01, v0;
	v22 =	vld [tilespmem:s19+$0x2000];
	v20 =	vmul.f32 $1.000000010e-01, v20;
	v10 =	vsub.f32 v10, v4  }
0x3b: {  	v24 =	vld [tilespmem:s19+$0x2010];
	v9 =	vadd.f32 v19, v9;
	v0 =	vmul.f32 $1.000000010e-01, v12;
	v12 =	vsub.f32 v13, v1  }
0x3c: {  	v19 =	vld [tilespmem:s19+$0x2020];
	v7 =	vadd.f32 v20, v7;
	v10 =	vmul.f32 $1.000000010e-01, v10;
	v11 =	vsub.f32 v11, v3  }
0x3d: {  	v20 =	vld [tilespmem:s19+$0x2030];
	v0 =	vadd.f32 v0, v18;
	v12 =	vmul.f32 $1.000000010e-01, v12;
	v8 =	vsub.f32 v8, v2  }
0x3e: {  	v25 =	vld [tilespmem:s19+$0x2040];
	v10 =	vadd.f32 v10, v17;
	v11 =	vmul.f32 $1.000000010e-01, v11;
	v6 =	vsub.f32 v6, v21  }
0x3f: {  	v26 =	vld [tilespmem:s19+$0x2050];
	v13 =	vmul.f32 $1.000000010e-01, v0;
	v12 =	vadd.f32 v12, v16;
	v8 =	vmul.f32 $1.000000010e-01, v8  }
0x40: {  	v27 =	vld [tilespmem:s19+$0x2060];
	v10 =	vmul.f32 $1.000000010e-01, v10;
	v11 =	vadd.f32 v11, v15;
	v6 =	vmul.f32 $1.000000010e-01, v6  }
0x41: {  	v0 =	vld [tilespmem:s19+$0x2070];
	[tilespmem:s17+$0x1000] =	vst v9;
	v5 =	vadd.f32 v13, v5;
	v9 =	vmul.f32 $1.000000010e-01, v12;
	v8 =	vadd.f32 v8, v14  }
0x42: {  	v14 =	vld [tilespmem:s19+$0x0];
	[tilespmem:s17+$0x1010] =	vst v7;
	v4 =	vadd.f32 v10, v4;
	v7 =	vmul.f32 $1.000000010e-01, v11;
	v6 =	vadd.f32 v6, v23  }
0x43: {  	v15 =	vld [tilespmem:s19+$0x10];
	[tilespmem:s17+$0x1020] =	vst v5;
	v1 =	vadd.f32 v9, v1;
	v5 =	vmul.f32 $1.000000010e-01, v8  }
0x44: {  	v12 =	vld [tilespmem:s19+$0x20];
	[tilespmem:s17+$0x1030] =	vst v4;
	v3 =	vadd.f32 v7, v3;
	v4 =	vmul.f32 $1.000000010e-01, v6  }
0x45: {  	v10 =	vld [tilespmem:s19+$0x30];
	[tilespmem:s17+$0x1040] =	vst v1;
	v1 =	vadd.f32 v5, v2  }
0x46: {  	v9 =	vld [tilespmem:s19+$0x1000];
	[tilespmem:s17+$0x1050] =	vst v3;
	v2 =	vadd.f32 v4, v21  }
0x47: {  	v7 =	vld [tilespmem:s19+$0x1010];
	[tilespmem:s17+$0x1060] =	vst v1  }
0x48: {  	v13 =	vld [tilespmem:s19+$0x40];
	[tilespmem:s17+$0x1070] =	vst v2;
	s17 =	smov.u32 s19  }
0x49: {  	v11 =	vld [tilespmem:s17+$0x50]  }
0x4a: {  	v8 =	vld [tilespmem:s17+$0x60]  }
0x4b: {  	v1 =	vsub.f32 v14, v9;
	v6 =	vld [tilespmem:s17+$0x70]  }
.Ltmp0:
0x4c: {  	v2 =	vmul.f32 $8.999999760e-01, v22;
	v3 =	vsub.f32 v15, v7;
	v5 =	vld [tilespmem:s17+$0x1020];
	(pc) =	sbr.rel @p0 .LBB2_2-.Ltmp0, $4  }
0x4d: {  	v15 =	vmul.f32 $8.999999760e-01, v24;
	v14 =	vmul.f32 $1.000000010e-01, v1;
	v4 =	vld [tilespmem:s17+$0x1030]  }
0x4e: {  	v18 =	vmul.f32 $8.999999760e-01, v19;
	v21 =	vmul.f32 $1.000000010e-01, v3;
	v1 =	vld [tilespmem:s17+$0x1040]  }
0x4f: {  	v17 =	vmul.f32 $8.999999760e-01, v20;
	v16 =	vmul.f32 $8.999999760e-01, v25;
	v19 =	vadd.f32 v14, v2;
	v3 =	vld [tilespmem:s17+$0x1050]  }
0x50: {  	s18 =	sadd.s32 $0x200, s18;
	v14 =	vmul.f32 $8.999999760e-01, v27;
	v20 =	vadd.f32 v21, v15;
	v15 =	vmul.f32 $8.999999760e-01, v26;
	v2 =	vld [tilespmem:s17+$0x1060]  }
0x51: {  	v19 =	vmul.f32 $1.000000010e-01, v19;
	v12 =	vsub.f32 v12, v5;
	v21 =	vld [tilespmem:s17+$0x1070]  }
0x52: {  	v0 =	vmul.f32 $8.999999760e-01, v0;
	v20 =	vmul.f32 $1.000000010e-01, v20;
	v10 =	vsub.f32 v10, v4  }
0x53: {  	v9 =	vadd.f32 v19, v9;
	v12 =	vmul.f32 $1.000000010e-01, v12;
	v13 =	vsub.f32 v13, v1  }
0x54: {  	v7 =	vadd.f32 v20, v7;
	v10 =	vmul.f32 $1.000000010e-01, v10;
	v11 =	vsub.f32 v11, v3  }
0x55: {  	v12 =	vadd.f32 v12, v18;
	v13 =	vmul.f32 $1.000000010e-01, v13;
	v8 =	vsub.f32 v8, v2  }
0x56: {  	v10 =	vadd.f32 v10, v17;
	v11 =	vmul.f32 $1.000000010e-01, v11;
	v6 =	vsub.f32 v6, v21  }
0x57: {  	v12 =	vmul.f32 $1.000000010e-01, v12;
	v13 =	vadd.f32 v13, v16;
	v8 =	vmul.f32 $1.000000010e-01, v8  }
0x58: {  	v10 =	vmul.f32 $1.000000010e-01, v10;
	v11 =	vadd.f32 v11, v15;
	v6 =	vmul.f32 $1.000000010e-01, v6  }
0x59: {  	[tilespmem:s17+$0x1000] =	vst v9;
	v56 =	vadd.f32 v12, v5;
	v57 =	vmul.f32 $1.000000010e-01, v13;
	v8 =	vadd.f32 v8, v14  }
0x5a: {  	[tilespmem:s17+$0x1010] =	vst v7;
	v58 =	vadd.f32 v10, v4;
	v59 =	vmul.f32 $1.000000010e-01, v11;
	v0 =	vadd.f32 v6, v0  }
0x5b: {  	[tilespmem:s17+$0x1020] =	vst v56;
	v60 =	vadd.f32 v57, v1;
	v61 =	vmul.f32 $1.000000010e-01, v8  }
0x5c: {  	[tilespmem:s17+$0x1030] =	vst v58;
	v62 =	vadd.f32 v59, v3;
	v0 =	vmul.f32 $1.000000010e-01, v0  }
0x5d: {  	[tilespmem:s17+$0x1040] =	vst v60;
	v63 =	vadd.f32 v61, v2  }
0x5e: {  	[tilespmem:s17+$0x1050] =	vst v62;
	v0 =	vadd.f32 v0, v21  }
0x5f: {  	[tilespmem:s17+$0x1060] =	vst v63  }
0x60: {  	s16 =	sadd.s32 $0x1, s16;
	[tilespmem:s17+$0x1070] =	vst v0  }
0x61: {  	[hbm4b:s8+s2] =	stream.linear.scatter [tilespmem:s11], [sflag:$0x3], $0x1000, $0x38;
	[tilespmem:$0x6000] =	vst v63  }
0x62: {  	p0 =	sne.s32 s16, s9;
	_ =	swait.ge [sflag:s15], $0x3000  }
.Ltmp1:
0x63: {  	[sflag:s15] =	ssyncset.done $0x0;
	(pc) =	sbr.rel @p0 .LBB2_1-.Ltmp1, $4  }
0x64: {  	[sflag:s15] =	ssyncadd.s32 $0xFFFFD000  }
0x65: {  	_ =	swait.ge [sflag:s15], $0x1000  }
0x66: {  	[sflag:s15] =	ssyncset.done $0x0  }
0x67: {  	[sflag:s15] =	ssyncadd.s32 $0xFFFFF000  }
0x68: {  	_ =	sfence.sel $0x180000  }
0x69: {  	[bflag:$0x0] =	sbarrier.arrive $0xFFFF  }
0x6a: {  	p0 =	sne.s32 s0, $0x0;
	_ =	strace $0x90000047  }
0x6b: {  	s0 =	sadd.s32 @!p0 $0x100000, s1;
	[bflag:$0x2] =	sbarrier.arrive $0xFFFF  }
0x6c: {  	[sflag:s0] =	ssyncadd.tile.s32 @!p0 $0x1;
	_ =	shalt  }
.Lfunc_end2:
_tile_overlayer_lowered:
.L_overlay_start_2:
0x6d: {  	(tag) =	ssettag $0x2  }
0x6e: {  	s0 =	rddreg [dreg:$0x0];
	s2 =	stileid.u32  }
0x6f: {  	s1 =	rddreg [dreg:$0x1];
	p0 =	sne.s32 s2, $0x0  }
0x70: {  	s3 =	rddreg [dreg:$0x2];
	[bflag:$0x3] =	sbarrier.arrive $0xFFFF;
	s2 =	simm.s32 @!p0 $0x1C04  }
0x71: {  	[timem:s3], [sflag:s2] =	dma.local @!p0 [hbm:s0], s1  }
0x72: {  	s0 =	simm.s32 @!p0 $0x4  }
0x73: {  	_ =	swait.ge @!p0 [sflag:s0], s1  }
0x74: {  	s1 =	ssub.s32 @!p0 $0x0, s1;
	[sflag:s0] =	ssyncset.done @!p0 $0x0  }
0x75: {  	[sflag:s0] =	ssyncadd.s32 @!p0 s1  }
0x76: {  	[bflag:$0x3] =	sbarrier.arrive $0xFFFF  }
0x77: {  	_ =	shalt  }

</sc_bundles>
